<compile_context>
chip_gen: v7x
topology: tpu7x:2x2x1
jax: 0.10.2.dev20260603
libtpu: 0.0.44.dev20260713+nightly
codegen_flags: <defaults>
</compile_context>

<pallas_src>
import functools

import jax
import jax.numpy as jnp
from jax import lax
from jax.experimental import pallas as pl
from jax.experimental.pallas import tpu as pltpu
from jax.experimental.pallas import tpu_sc as plsc

_B, _S, _D = 4, 4096, 1024
_S_TC = 3584
_S_SC = _S - _S_TC
_TC_BLK = 512

_NW = 32
_S_PER_W = _S_SC // _NW
_T = 16
_CHUNK = _T * _D
_NOPS = _B
_NBUF = 4


def _tc_add(x_ref, pe_ref, o_ref):
    o_ref[0] = x_ref[0] + pe_ref[...]


def _sc_add(x_hbm, pe_hbm, out_hbm,
            pe0, o0, o1, o2, o3,
            spe0, sg0, sg1, sg2, sg3, ss0, ss1, ss2, ss3):
    wid = lax.axis_index("s") * 2 + lax.axis_index("c")
    row0 = _S_TC + wid * _S_PER_W

    o_bufs = [o0, o1, o2, o3]
    g_sems = [sg0, sg1, sg2, sg3]
    s_sems = [ss0, ss1, ss2, ss3]

    def x_off(b):
        return b * _S * _D + row0 * _D

    def out_off(b):
        return b * _S_SC * _D + (row0 - _S_TC) * _D

    pe_cp = pltpu.async_copy(
        pe_hbm.at[pl.ds(row0 * _D, _CHUNK)], pe0, spe0)
    g_cp = [pltpu.async_copy(x_hbm.at[pl.ds(x_off(b), _CHUNK)],
                             o_bufs[b], g_sems[b])
            for b in range(_NOPS)]
    pe_cp.wait()

    s_cp = [None] * _NOPS
    for b in range(_NOPS):
        g_cp[b].wait()
        ov = o_bufs[b]

        @plsc.parallel_loop(0, _CHUNK // 16, unroll=8)
        def _(i, ov=ov):
            sl = pl.ds(i * 16, 16)
            plsc.addupdate(ov.at[sl], pe0[sl])

        s_cp[b] = pltpu.async_copy(
            ov, out_hbm.at[pl.ds(out_off(b), _CHUNK)], s_sems[b])
    for b in range(_NOPS):
        s_cp[b].wait()


_sc_kernel = functools.partial(
    pl.kernel,
    mesh=plsc.VectorSubcoreMesh(core_axis_name="c", subcore_axis_name="s"),
    out_type=jax.ShapeDtypeStruct((_B * _S_SC * _D,), jnp.float32),
    scratch_types=[
        pltpu.VMEM((_CHUNK,), jnp.float32),
        pltpu.VMEM((_CHUNK,), jnp.float32),
        pltpu.VMEM((_CHUNK,), jnp.float32),
        pltpu.VMEM((_CHUNK,), jnp.float32),
        pltpu.VMEM((_CHUNK,), jnp.float32),
        pltpu.SemaphoreType.DMA,
        pltpu.SemaphoreType.DMA,
        pltpu.SemaphoreType.DMA,
        pltpu.SemaphoreType.DMA,
        pltpu.SemaphoreType.DMA,
        pltpu.SemaphoreType.DMA,
        pltpu.SemaphoreType.DMA,
        pltpu.SemaphoreType.DMA,
        pltpu.SemaphoreType.DMA,
    ],
)(_sc_add)


def kernel(x, which_dim, pos_embedding):
    del which_dim
    B, S, D = x.shape
    sc_out = _sc_kernel(x.reshape(-1), pos_embedding.reshape(-1))
    tc_out = pl.pallas_call(
        _tc_add,
        grid=(_S_TC // _TC_BLK, B),
        in_specs=[
            pl.BlockSpec((1, _TC_BLK, D), lambda i, b: (b, i, 0)),
            pl.BlockSpec((_TC_BLK, D), lambda i, b: (i, 0)),
        ],
        out_specs=pl.BlockSpec((1, _TC_BLK, D), lambda i, b: (b, i, 0)),
        out_shape=jax.ShapeDtypeStruct((B, _S_TC, D), x.dtype),
        compiler_params=pltpu.CompilerParams(
            vmem_limit_bytes=110 * 1024 * 1024,
        ),
    )(x, pos_embedding)
    return jnp.concatenate(
        [tc_out, sc_out.reshape(B, _S_SC, D)], axis=1)

# --- scband reference (transcript-rebuilt; emitter-appended) ---
"""Pipeline reference for scband-learnable-pos-emb-4380866642263 (READ-ONLY COPY).

The authoritative reference and input builder live on the scoring server;
editing this copy changes nothing except your own understanding.
"""

import jax, jax.numpy as jnp
import numpy as np

NUM_EMB = 4096
EMB_DIM = 1024

def setup_inputs(seed: int = 0) -> dict:
    key = jax.random.key(seed)
    k1, k2 = jax.random.split(key)
    x = jax.random.normal(k1, (4, 4096, 1024), dtype=jnp.float32)
    pos_embedding = jax.random.normal(k2, (NUM_EMB, EMB_DIM), dtype=jnp.float32)
    return {"x": x, "which_dim": 1, "pos_embedding": pos_embedding}

def reference(x, which_dim, pos_embedding):
    ndim = x.ndim
    WHICH_DIM = 1
    pe = pos_embedding
    for i in range(ndim - 1):
        if i != WHICH_DIM:
            pe = jnp.expand_dims(pe, i)
    idx = jnp.arange(x.shape[WHICH_DIM]) + (which_dim - WHICH_DIM)
    embs = jnp.take(pe, idx, axis=WHICH_DIM)
    return x + embs

if __name__ == "__main__":
    import jax
    _d = setup_inputs()
    print(jax.jit(kernel)(*tuple(_d.values())))

</pallas_src>

<mosaic_0001>
#map = affine_map<(d0, d1) -> (0)>
module attributes {stable_mosaic.version = 14 : i64} {
  func.func @_sc_add(%arg0: i32, %arg1: i32, %arg2: memref<16777216xf32, #tpu.memory_space<hbm>>, %arg3: memref<4194304xf32, #tpu.memory_space<hbm>>, %arg4: memref<2097152xf32, #tpu.memory_space<hbm>>, %arg5: memref<16384xf32, #tpu.memory_space<vmem>>, %arg6: memref<16384xf32, #tpu.memory_space<vmem>>, %arg7: memref<16384xf32, #tpu.memory_space<vmem>>, %arg8: memref<16384xf32, #tpu.memory_space<vmem>>, %arg9: memref<16384xf32, #tpu.memory_space<vmem>>, %arg10: memref<!tpu.dma_semaphore, #tpu.memory_space<semaphore_mem>>, %arg11: memref<!tpu.dma_semaphore, #tpu.memory_space<semaphore_mem>>, %arg12: memref<!tpu.dma_semaphore, #tpu.memory_space<semaphore_mem>>, %arg13: memref<!tpu.dma_semaphore, #tpu.memory_space<semaphore_mem>>, %arg14: memref<!tpu.dma_semaphore, #tpu.memory_space<semaphore_mem>>, %arg15: memref<!tpu.dma_semaphore, #tpu.memory_space<semaphore_mem>>, %arg16: memref<!tpu.dma_semaphore, #tpu.memory_space<semaphore_mem>>, %arg17: memref<!tpu.dma_semaphore, #tpu.memory_space<semaphore_mem>>, %arg18: memref<!tpu.dma_semaphore, #tpu.memory_space<semaphore_mem>>) attributes {dimension_semantics = [#tpu.dimension_semantics<core_parallel>, #tpu.dimension_semantics<subcore_parallel>], iteration_bounds = array<i64: 2, 16>, scalar_prefetch = 0 : i64, scratch_operands = 14 : i64, tpu.core_type = #tpu.core_type<sc_vector_subcore>, window_params = [{transform_indices = #map}, {transform_indices = #map}, {transform_indices = #map}]} {
    %mul3A = arith.constant 2 : i32
    %mul3A_0 = arith.muli %arg1, %mul3A : i32
    %add3A = arith.addi %mul3A_0, %arg0 : i32
    %mul3A_1 = arith.constant 16 : i32
    %mul3A_2 = arith.muli %add3A, %mul3A_1 : i32
    %add3A_3 = arith.constant 3584 : i32
    %add3A_4 = arith.addi %add3A_3, %mul3A_2 : i32
    %mul3A_5 = arith.constant 1024 : i32
    %mul3A_6 = arith.muli %add3A_4, %mul3A_5 : i32
    %dma_start3A = tpu.memref_slice %arg3[%mul3A_6] : memref<4194304xf32, #tpu.memory_space<hbm>> -> memref<16384xf32, #tpu.memory_space<hbm>>
    %dma_start3A_7 = tpu.memref_slice %arg3[%mul3A_6] : memref<4194304xf32, #tpu.memory_space<hbm>> -> memref<16384xf32, #tpu.memory_space<hbm>>
    tpu.enqueue_dma source(%dma_start3A_7 : memref<16384xf32, #tpu.memory_space<hbm>>) target(%arg5 : memref<16384xf32, #tpu.memory_space<vmem>>) target_semaphore(%arg10 : memref<!tpu.dma_semaphore, #tpu.memory_space<semaphore_mem>>)
    %mul3A_8 = arith.constant 1024 : i32
    %mul3A_9 = arith.muli %add3A_4, %mul3A_8 : i32
    %add3A_10 = arith.constant 0 : i32
    %add3A_11 = arith.addi %add3A_10, %mul3A_9 : i32
    %dma_start3A_12 = tpu.memref_slice %arg2[%add3A_11] : memref<16777216xf32, #tpu.memory_space<hbm>> -> memref<16384xf32, #tpu.memory_space<hbm>>
    %dma_start3A_13 = tpu.memref_slice %arg2[%add3A_11] : memref<16777216xf32, #tpu.memory_space<hbm>> -> memref<16384xf32, #tpu.memory_space<hbm>>
    tpu.enqueue_dma source(%dma_start3A_13 : memref<16384xf32, #tpu.memory_space<hbm>>) target(%arg6 : memref<16384xf32, #tpu.memory_space<vmem>>) target_semaphore(%arg11 : memref<!tpu.dma_semaphore, #tpu.memory_space<semaphore_mem>>)
    %mul3A_14 = arith.constant 1024 : i32
    %mul3A_15 = arith.muli %add3A_4, %mul3A_14 : i32
    %add3A_16 = arith.constant 4194304 : i32
    %add3A_17 = arith.addi %add3A_16, %mul3A_15 : i32
    %dma_start3A_18 = tpu.memref_slice %arg2[%add3A_17] : memref<16777216xf32, #tpu.memory_space<hbm>> -> memref<16384xf32, #tpu.memory_space<hbm>>
    %dma_start3A_19 = tpu.memref_slice %arg2[%add3A_17] : memref<16777216xf32, #tpu.memory_space<hbm>> -> memref<16384xf32, #tpu.memory_space<hbm>>
    tpu.enqueue_dma source(%dma_start3A_19 : memref<16384xf32, #tpu.memory_space<hbm>>) target(%arg7 : memref<16384xf32, #tpu.memory_space<vmem>>) target_semaphore(%arg12 : memref<!tpu.dma_semaphore, #tpu.memory_space<semaphore_mem>>)
    %mul3A_20 = arith.constant 1024 : i32
    %mul3A_21 = arith.muli %add3A_4, %mul3A_20 : i32
    %add3A_22 = arith.constant 8388608 : i32
    %add3A_23 = arith.addi %add3A_22, %mul3A_21 : i32
    %dma_start3A_24 = tpu.memref_slice %arg2[%add3A_23] : memref<16777216xf32, #tpu.memory_space<hbm>> -> memref<16384xf32, #tpu.memory_space<hbm>>
    %dma_start3A_25 = tpu.memref_slice %arg2[%add3A_23] : memref<16777216xf32, #tpu.memory_space<hbm>> -> memref<16384xf32, #tpu.memory_space<hbm>>
    tpu.enqueue_dma source(%dma_start3A_25 : memref<16384xf32, #tpu.memory_space<hbm>>) target(%arg8 : memref<16384xf32, #tpu.memory_space<vmem>>) target_semaphore(%arg13 : memref<!tpu.dma_semaphore, #tpu.memory_space<semaphore_mem>>)
    %mul3A_26 = arith.constant 1024 : i32
    %mul3A_27 = arith.muli %add3A_4, %mul3A_26 : i32
    %add3A_28 = arith.constant 12582912 : i32
    %add3A_29 = arith.addi %add3A_28, %mul3A_27 : i32
    %dma_start3A_30 = tpu.memref_slice %arg2[%add3A_29] : memref<16777216xf32, #tpu.memory_space<hbm>> -> memref<16384xf32, #tpu.memory_space<hbm>>
    %dma_start3A_31 = tpu.memref_slice %arg2[%add3A_29] : memref<16777216xf32, #tpu.memory_space<hbm>> -> memref<16384xf32, #tpu.memory_space<hbm>>
    tpu.enqueue_dma source(%dma_start3A_31 : memref<16384xf32, #tpu.memory_space<hbm>>) target(%arg9 : memref<16384xf32, #tpu.memory_space<vmem>>) target_semaphore(%arg14 : memref<!tpu.dma_semaphore, #tpu.memory_space<semaphore_mem>>)
    %dma_wait3A = tpu.memref_slice %arg3[%mul3A_6] : memref<4194304xf32, #tpu.memory_space<hbm>> -> memref<16384xf32, #tpu.memory_space<hbm>>
    %dma_wait3A_32 = tpu.memref_slice %arg3[%mul3A_6] : memref<4194304xf32, #tpu.memory_space<hbm>> -> memref<16384xf32, #tpu.memory_space<hbm>>
    tpu.wait_dma2 semaphore(%arg10 : memref<!tpu.dma_semaphore, #tpu.memory_space<semaphore_mem>>) src(%dma_wait3A_32 : memref<16384xf32, #tpu.memory_space<hbm>>) dst(%arg5 : memref<16384xf32, #tpu.memory_space<vmem>>)
    %dma_wait3A_33 = tpu.memref_slice %arg2[%add3A_11] : memref<16777216xf32, #tpu.memory_space<hbm>> -> memref<16384xf32, #tpu.memory_space<hbm>>
    %dma_wait3A_34 = tpu.memref_slice %arg2[%add3A_11] : memref<16777216xf32, #tpu.memory_space<hbm>> -> memref<16384xf32, #tpu.memory_space<hbm>>
    tpu.wait_dma2 semaphore(%arg11 : memref<!tpu.dma_semaphore, #tpu.memory_space<semaphore_mem>>) src(%dma_wait3A_34 : memref<16384xf32, #tpu.memory_space<hbm>>) dst(%arg6 : memref<16384xf32, #tpu.memory_space<vmem>>)
    %parallel_loop3A = arith.constant 0 : i32
    %parallel_loop3A_35 = arith.constant 1024 : i32
    %parallel_loop3A_36 = arith.constant 1 : i32
    scf.for %parallel_loop3A_91 = %parallel_loop3A to %parallel_loop3A_35 step %parallel_loop3A_36  : i32 {
      %parallel_loop3A_92 = arith.constant 16 : i32
      %parallel_loop3A_93 = arith.muli %parallel_loop3A_91, %parallel_loop3A_92 : i32
      %parallel_loop3A_94 = arith.index_cast %parallel_loop3A_93 : i32 to index
      %parallel_loop3A_95 = tpu.vector_load %arg5[%parallel_loop3A_94] {strides = array<i32>} : memref<16384xf32, #tpu.memory_space<vmem>>, vector<16xf32>,
      %parallel_loop3A_96 = vector.shape_cast %parallel_loop3A_95 : vector<16xf32> to vector<16xf32>
      %parallel_loop3A_97 = arith.index_cast %parallel_loop3A_93 : i32 to index
      %parallel_loop3A_98 = tpu.vector_load %arg6[%parallel_loop3A_97] {strides = array<i32>} : memref<16384xf32, #tpu.memory_space<vmem>>, vector<16xf32>,
      %parallel_loop3A_99 = vector.shape_cast %parallel_loop3A_98 : vector<16xf32> to vector<16xf32>
      %parallel_loop3A_100 = vector.shape_cast %parallel_loop3A_96 : vector<16xf32> to vector<16xf32>
      tpu.vector_store %arg6[%parallel_loop3A_97], %parallel_loop3A_100 {add = true, strides = array<i32>} : memref<16384xf32, #tpu.memory_space<vmem>>, vector<16xf32>,
    } {sc.loop_unroll_factor = 8 : i64, sc.parallel_access}
    %sub3A = arith.constant 3584 : i32
    %sub3A_37 = arith.subi %add3A_4, %sub3A : i32
    %mul3A_38 = arith.constant 1024 : i32
    %mul3A_39 = arith.muli %sub3A_37, %mul3A_38 : i32
    %add3A_40 = arith.constant 0 : i32
    %add3A_41 = arith.addi %add3A_40, %mul3A_39 : i32
    %dma_start3A_42 = tpu.memref_slice %arg4[%add3A_41] : memref<2097152xf32, #tpu.memory_space<hbm>> -> memref<16384xf32, #tpu.memory_space<hbm>>
    %dma_start3A_43 = tpu.memref_slice %arg4[%add3A_41] : memref<2097152xf32, #tpu.memory_space<hbm>> -> memref<16384xf32, #tpu.memory_space<hbm>>
    tpu.enqueue_dma source(%arg6 : memref<16384xf32, #tpu.memory_space<vmem>>) target(%dma_start3A_43 : memref<16384xf32, #tpu.memory_space<hbm>>) target_semaphore(%arg15 : memref<!tpu.dma_semaphore, #tpu.memory_space<semaphore_mem>>)
    %dma_wait3A_44 = tpu.memref_slice %arg2[%add3A_17] : memref<16777216xf32, #tpu.memory_space<hbm>> -> memref<16384xf32, #tpu.memory_space<hbm>>
    %dma_wait3A_45 = tpu.memref_slice %arg2[%add3A_17] : memref<16777216xf32, #tpu.memory_space<hbm>> -> memref<16384xf32, #tpu.memory_space<hbm>>
    tpu.wait_dma2 semaphore(%arg12 : memref<!tpu.dma_semaphore, #tpu.memory_space<semaphore_mem>>) src(%dma_wait3A_45 : memref<16384xf32, #tpu.memory_space<hbm>>) dst(%arg7 : memref<16384xf32, #tpu.memory_space<vmem>>)
    %parallel_loop3A_46 = arith.constant 0 : i32
    %parallel_loop3A_47 = arith.constant 1024 : i32
    %parallel_loop3A_48 = arith.constant 1 : i32
    scf.for %parallel_loop3A_91 = %parallel_loop3A_46 to %parallel_loop3A_47 step %parallel_loop3A_48  : i32 {
      %parallel_loop3A_92 = arith.constant 16 : i32
      %parallel_loop3A_93 = arith.muli %parallel_loop3A_91, %parallel_loop3A_92 : i32
      %parallel_loop3A_94 = arith.index_cast %parallel_loop3A_93 : i32 to index
      %parallel_loop3A_95 = tpu.vector_load %arg5[%parallel_loop3A_94] {strides = array<i32>} : memref<16384xf32, #tpu.memory_space<vmem>>, vector<16xf32>,
      %parallel_loop3A_96 = vector.shape_cast %parallel_loop3A_95 : vector<16xf32> to vector<16xf32>
      %parallel_loop3A_97 = arith.index_cast %parallel_loop3A_93 : i32 to index
      %parallel_loop3A_98 = tpu.vector_load %arg7[%parallel_loop3A_97] {strides = array<i32>} : memref<16384xf32, #tpu.memory_space<vmem>>, vector<16xf32>,
      %parallel_loop3A_99 = vector.shape_cast %parallel_loop3A_98 : vector<16xf32> to vector<16xf32>
      %parallel_loop3A_100 = vector.shape_cast %parallel_loop3A_96 : vector<16xf32> to vector<16xf32>
      tpu.vector_store %arg7[%parallel_loop3A_97], %parallel_loop3A_100 {add = true, strides = array<i32>} : memref<16384xf32, #tpu.memory_space<vmem>>, vector<16xf32>,
    } {sc.loop_unroll_factor = 8 : i64, sc.parallel_access}
    %sub3A_49 = arith.constant 3584 : i32
    %sub3A_50 = arith.subi %add3A_4, %sub3A_49 : i32
    %mul3A_51 = arith.constant 1024 : i32
    %mul3A_52 = arith.muli %sub3A_50, %mul3A_51 : i32
    %add3A_53 = arith.constant 524288 : i32
    %add3A_54 = arith.addi %add3A_53, %mul3A_52 : i32
    %dma_start3A_55 = tpu.memref_slice %arg4[%add3A_54] : memref<2097152xf32, #tpu.memory_space<hbm>> -> memref<16384xf32, #tpu.memory_space<hbm>>
    %dma_start3A_56 = tpu.memref_slice %arg4[%add3A_54] : memref<2097152xf32, #tpu.memory_space<hbm>> -> memref<16384xf32, #tpu.memory_space<hbm>>
    tpu.enqueue_dma source(%arg7 : memref<16384xf32, #tpu.memory_space<vmem>>) target(%dma_start3A_56 : memref<16384xf32, #tpu.memory_space<hbm>>) target_semaphore(%arg16 : memref<!tpu.dma_semaphore, #tpu.memory_space<semaphore_mem>>)
    %dma_wait3A_57 = tpu.memref_slice %arg2[%add3A_23] : memref<16777216xf32, #tpu.memory_space<hbm>> -> memref<16384xf32, #tpu.memory_space<hbm>>
    %dma_wait3A_58 = tpu.memref_slice %arg2[%add3A_23] : memref<16777216xf32, #tpu.memory_space<hbm>> -> memref<16384xf32, #tpu.memory_space<hbm>>
    tpu.wait_dma2 semaphore(%arg13 : memref<!tpu.dma_semaphore, #tpu.memory_space<semaphore_mem>>) src(%dma_wait3A_58 : memref<16384xf32, #tpu.memory_space<hbm>>) dst(%arg8 : memref<16384xf32, #tpu.memory_space<vmem>>)
    %parallel_loop3A_59 = arith.constant 0 : i32
    %parallel_loop3A_60 = arith.constant 1024 : i32
    %parallel_loop3A_61 = arith.constant 1 : i32
    scf.for %parallel_loop3A_91 = %parallel_loop3A_59 to %parallel_loop3A_60 step %parallel_loop3A_61  : i32 {
      %parallel_loop3A_92 = arith.constant 16 : i32
      %parallel_loop3A_93 = arith.muli %parallel_loop3A_91, %parallel_loop3A_92 : i32
      %parallel_loop3A_94 = arith.index_cast %parallel_loop3A_93 : i32 to index
      %parallel_loop3A_95 = tpu.vector_load %arg5[%parallel_loop3A_94] {strides = array<i32>} : memref<16384xf32, #tpu.memory_space<vmem>>, vector<16xf32>,
      %parallel_loop3A_96 = vector.shape_cast %parallel_loop3A_95 : vector<16xf32> to vector<16xf32>
      %parallel_loop3A_97 = arith.index_cast %parallel_loop3A_93 : i32 to index
      %parallel_loop3A_98 = tpu.vector_load %arg8[%parallel_loop3A_97] {strides = array<i32>} : memref<16384xf32, #tpu.memory_space<vmem>>, vector<16xf32>,
      %parallel_loop3A_99 = vector.shape_cast %parallel_loop3A_98 : vector<16xf32> to vector<16xf32>
      %parallel_loop3A_100 = vector.shape_cast %parallel_loop3A_96 : vector<16xf32> to vector<16xf32>
      tpu.vector_store %arg8[%parallel_loop3A_97], %parallel_loop3A_100 {add = true, strides = array<i32>} : memref<16384xf32, #tpu.memory_space<vmem>>, vector<16xf32>,
    } {sc.loop_unroll_factor = 8 : i64, sc.parallel_access}
    %sub3A_62 = arith.constant 3584 : i32
    %sub3A_63 = arith.subi %add3A_4, %sub3A_62 : i32
    %mul3A_64 = arith.constant 1024 : i32
    %mul3A_65 = arith.muli %sub3A_63, %mul3A_64 : i32
    %add3A_66 = arith.constant 1048576 : i32
    %add3A_67 = arith.addi %add3A_66, %mul3A_65 : i32
    %dma_start3A_68 = tpu.memref_slice %arg4[%add3A_67] : memref<2097152xf32, #tpu.memory_space<hbm>> -> memref<16384xf32, #tpu.memory_space<hbm>>
    %dma_start3A_69 = tpu.memref_slice %arg4[%add3A_67] : memref<2097152xf32, #tpu.memory_space<hbm>> -> memref<16384xf32, #tpu.memory_space<hbm>>
    tpu.enqueue_dma source(%arg8 : memref<16384xf32, #tpu.memory_space<vmem>>) target(%dma_start3A_69 : memref<16384xf32, #tpu.memory_space<hbm>>) target_semaphore(%arg17 : memref<!tpu.dma_semaphore, #tpu.memory_space<semaphore_mem>>)
    %dma_wait3A_70 = tpu.memref_slice %arg2[%add3A_29] : memref<16777216xf32, #tpu.memory_space<hbm>> -> memref<16384xf32, #tpu.memory_space<hbm>>
    %dma_wait3A_71 = tpu.memref_slice %arg2[%add3A_29] : memref<16777216xf32, #tpu.memory_space<hbm>> -> memref<16384xf32, #tpu.memory_space<hbm>>
    tpu.wait_dma2 semaphore(%arg14 : memref<!tpu.dma_semaphore, #tpu.memory_space<semaphore_mem>>) src(%dma_wait3A_71 : memref<16384xf32, #tpu.memory_space<hbm>>) dst(%arg9 : memref<16384xf32, #tpu.memory_space<vmem>>)
    %parallel_loop3A_72 = arith.constant 0 : i32
    %parallel_loop3A_73 = arith.constant 1024 : i32
    %parallel_loop3A_74 = arith.constant 1 : i32
    scf.for %parallel_loop3A_91 = %parallel_loop3A_72 to %parallel_loop3A_73 step %parallel_loop3A_74  : i32 {
      %parallel_loop3A_92 = arith.constant 16 : i32
      %parallel_loop3A_93 = arith.muli %parallel_loop3A_91, %parallel_loop3A_92 : i32
      %parallel_loop3A_94 = arith.index_cast %parallel_loop3A_93 : i32 to index
      %parallel_loop3A_95 = tpu.vector_load %arg5[%parallel_loop3A_94] {strides = array<i32>} : memref<16384xf32, #tpu.memory_space<vmem>>, vector<16xf32>,
      %parallel_loop3A_96 = vector.shape_cast %parallel_loop3A_95 : vector<16xf32> to vector<16xf32>
      %parallel_loop3A_97 = arith.index_cast %parallel_loop3A_93 : i32 to index
      %parallel_loop3A_98 = tpu.vector_load %arg9[%parallel_loop3A_97] {strides = array<i32>} : memref<16384xf32, #tpu.memory_space<vmem>>, vector<16xf32>,
      %parallel_loop3A_99 = vector.shape_cast %parallel_loop3A_98 : vector<16xf32> to vector<16xf32>
      %parallel_loop3A_100 = vector.shape_cast %parallel_loop3A_96 : vector<16xf32> to vector<16xf32>
      tpu.vector_store %arg9[%parallel_loop3A_97], %parallel_loop3A_100 {add = true, strides = array<i32>} : memref<16384xf32, #tpu.memory_space<vmem>>, vector<16xf32>,
    } {sc.loop_unroll_factor = 8 : i64, sc.parallel_access}
    %sub3A_75 = arith.constant 3584 : i32
    %sub3A_76 = arith.subi %add3A_4, %sub3A_75 : i32
    %mul3A_77 = arith.constant 1024 : i32
    %mul3A_78 = arith.muli %sub3A_76, %mul3A_77 : i32
    %add3A_79 = arith.constant 1572864 : i32
    %add3A_80 = arith.addi %add3A_79, %mul3A_78 : i32
    %dma_start3A_81 = tpu.memref_slice %arg4[%add3A_80] : memref<2097152xf32, #tpu.memory_space<hbm>> -> memref<16384xf32, #tpu.memory_space<hbm>>
    %dma_start3A_82 = tpu.memref_slice %arg4[%add3A_80] : memref<2097152xf32, #tpu.memory_space<hbm>> -> memref<16384xf32, #tpu.memory_space<hbm>>
    tpu.enqueue_dma source(%arg9 : memref<16384xf32, #tpu.memory_space<vmem>>) target(%dma_start3A_82 : memref<16384xf32, #tpu.memory_space<hbm>>) target_semaphore(%arg18 : memref<!tpu.dma_semaphore, #tpu.memory_space<semaphore_mem>>)
    %dma_wait3A_83 = tpu.memref_slice %arg4[%add3A_41] : memref<2097152xf32, #tpu.memory_space<hbm>> -> memref<16384xf32, #tpu.memory_space<hbm>>
    %dma_wait3A_84 = tpu.memref_slice %arg4[%add3A_41] : memref<2097152xf32, #tpu.memory_space<hbm>> -> memref<16384xf32, #tpu.memory_space<hbm>>
    tpu.wait_dma2 semaphore(%arg15 : memref<!tpu.dma_semaphore, #tpu.memory_space<semaphore_mem>>) src(%arg6 : memref<16384xf32, #tpu.memory_space<vmem>>) dst(%dma_wait3A_84 : memref<16384xf32, #tpu.memory_space<hbm>>)
    %dma_wait3A_85 = tpu.memref_slice %arg4[%add3A_54] : memref<2097152xf32, #tpu.memory_space<hbm>> -> memref<16384xf32, #tpu.memory_space<hbm>>
    %dma_wait3A_86 = tpu.memref_slice %arg4[%add3A_54] : memref<2097152xf32, #tpu.memory_space<hbm>> -> memref<16384xf32, #tpu.memory_space<hbm>>
    tpu.wait_dma2 semaphore(%arg16 : memref<!tpu.dma_semaphore, #tpu.memory_space<semaphore_mem>>) src(%arg7 : memref<16384xf32, #tpu.memory_space<vmem>>) dst(%dma_wait3A_86 : memref<16384xf32, #tpu.memory_space<hbm>>)
    %dma_wait3A_87 = tpu.memref_slice %arg4[%add3A_67] : memref<2097152xf32, #tpu.memory_space<hbm>> -> memref<16384xf32, #tpu.memory_space<hbm>>
    %dma_wait3A_88 = tpu.memref_slice %arg4[%add3A_67] : memref<2097152xf32, #tpu.memory_space<hbm>> -> memref<16384xf32, #tpu.memory_space<hbm>>
    tpu.wait_dma2 semaphore(%arg17 : memref<!tpu.dma_semaphore, #tpu.memory_space<semaphore_mem>>) src(%arg8 : memref<16384xf32, #tpu.memory_space<vmem>>) dst(%dma_wait3A_88 : memref<16384xf32, #tpu.memory_space<hbm>>)
    %dma_wait3A_89 = tpu.memref_slice %arg4[%add3A_80] : memref<2097152xf32, #tpu.memory_space<hbm>> -> memref<16384xf32, #tpu.memory_space<hbm>>
    %dma_wait3A_90 = tpu.memref_slice %arg4[%add3A_80] : memref<2097152xf32, #tpu.memory_space<hbm>> -> memref<16384xf32, #tpu.memory_space<hbm>>
    tpu.wait_dma2 semaphore(%arg18 : memref<!tpu.dma_semaphore, #tpu.memory_space<semaphore_mem>>) src(%arg9 : memref<16384xf32, #tpu.memory_space<vmem>>) dst(%dma_wait3A_90 : memref<16384xf32, #tpu.memory_space<hbm>>)
    return
  }
}

module attributes {stable_mosaic.version = 14 : i64} {
  func.func @_tc_add(%arg0: i32, %arg1: i32, %arg2: memref<1x512x1024xf32, #tpu.memory_space<vmem>>, %arg3: memref<512x1024xf32, #tpu.memory_space<vmem>>, %arg4: memref<1x512x1024xf32, #tpu.memory_space<vmem>>) attributes {dimension_semantics = [#tpu.dimension_semantics<arbitrary>, #tpu.dimension_semantics<arbitrary>], iteration_bounds = array<i64: 7, 4>, scalar_prefetch = 0 : i64, scratch_operands = 0 : i64, tpu.core_type = #tpu.core_type<tc>, window_params = [{transform_indices = @transform_0, window_bounds = array<i64: 1, 512, 1024>}, {transform_indices = @transform_1, window_bounds = array<i64: 512, 1024>}, {transform_indices = @transform_2, window_bounds = array<i64: 1, 512, 1024>}]} {
    %get3A = arith.constant 0 : index
    %get3A_0 = arith.constant 0 : index
    %get3A_1 = arith.constant 0 : index
    %get3A_2 = vector.load %arg2[%get3A, %get3A_0, %get3A_1] : memref<1x512x1024xf32, #tpu.memory_space<vmem>>, vector<1x512x1024xf32>
    %get3A_3 = vector.shape_cast %get3A_2 : vector<1x512x1024xf32> to vector<512x1024xf32>
    %get3A_4 = arith.constant 0 : index
    %get3A_5 = arith.constant 0 : index
    %get3A_6 = vector.load %arg3[%get3A_4, %get3A_5] : memref<512x1024xf32, #tpu.memory_space<vmem>>, vector<512x1024xf32>
    %add3A = arith.addf %get3A_3, %get3A_6 : vector<512x1024xf32>
    %swap3A = arith.constant 0 : index
    %swap3A_7 = arith.constant 0 : index
    %swap3A_8 = arith.constant 0 : index
    %swap3A_9 = vector.load %arg4[%swap3A, %swap3A_7, %swap3A_8] : memref<1x512x1024xf32, #tpu.memory_space<vmem>>, vector<1x512x1024xf32>
    %swap3A_10 = vector.shape_cast %swap3A_9 : vector<1x512x1024xf32> to vector<512x1024xf32>
    %swap3A_11 = vector.shape_cast %add3A : vector<512x1024xf32> to vector<1x512x1024xf32>
    tpu.vector_store %arg4[%swap3A, %swap3A_7, %swap3A_8], %swap3A_11 {strides = array<i32>} : memref<1x512x1024xf32, #tpu.memory_space<vmem>>, vector<1x512x1024xf32>,
    return
  }
  func.func @transform_0(%arg0: i32, %arg1: i32) -> (i32, i32, i32) {
    %c0_i32 = arith.constant 0 : i32
    %c0_i32_0 = arith.constant 0 : i32
    return %arg1, %arg0, %c0_i32 : i32, i32, i32
  }
  func.func @transform_1(%arg0: i32, %arg1: i32) -> (i32, i32) {
    %c0_i32 = arith.constant 0 : i32
    %c0_i32_0 = arith.constant 0 : i32
    return %arg0, %c0_i32 : i32, i32
  }
  func.func @transform_2(%arg0: i32, %arg1: i32) -> (i32, i32, i32) {
    %c0_i32 = arith.constant 0 : i32
    %c0_i32_0 = arith.constant 0 : i32
    return %arg1, %arg0, %c0_i32 : i32, i32, i32
  }
}

</mosaic_0001>

<sc_bundles>
// kernel: kernel.4.cloned.1.call-start
scs
__scs_entry_jumppad:
0x0: {  	(pc) =	sbr.rel $0x88, $3  }
0x1: {  	(tag) =	ssettag $0x0;
	lr =	simm.s32 $0x1  }
0x2: {  	[smem:$0x3F9F] =	sst lr;
	_ =	strace $0xD0000000  }
0x3: {  	_ = 	snop  }
0x4: {  	_ = 	snop  }
0x5: {  	_ = 	snop  }
0x6: {  	_ = 	snop  }
0x7: {  	_ = 	snop  }
__scs_overlays_trampoline_lowered:
0x8: {  	[smem:$0x3FAE] =	sst s0  }
0x9: {  	[smem:$0x3FAF] =	sst s1  }
0xa: {  	[smem:$0x3FB0] =	sst s2  }
0xb: {  	[smem:$0x3FB1] =	sst s3  }
0xc: {  	[smem:$0x3FB2] =	sst s4  }
0xd: {  	[smem:$0x3FB3] =	sst s5  }
0xe: {  	[smem:$0x3FB4] =	sst s6  }
0xf: {  	[smem:$0x3FB5] =	sst s7  }
0x10: {  	[smem:$0x3FB6] =	sst s8  }
0x11: {  	[smem:$0x3FB7] =	sst s9;
	s0 =	simm.s32 @!p0 $0x0  }
0x12: {  	s1 =	sld [smem:$0x3F9D];
	s0 =	simm.s32 @p0 $0x1  }
0x13: {  	[smem:$0x3FB8] =	sst s0;
	s0 =	simm.s32 @!p1 $0x0  }
0x14: {  	s2 =	sld [smem:$0x3F9C];
	s0 =	simm.s32 @p1 $0x1  }
0x15: {  	[smem:$0x3FB9] =	sst s0;
	s0 =	simm.s32 @!p2 $0x0  }
0x16: {  	s3 =	sld [smem:$0x3FDB];
	s0 =	simm.s32 @p2 $0x1  }
0x17: {  	s4 =	simm.s32 $0x1BF5;
	[smem:$0x3FBB] =	sst s0  }
0x18: {  	s0 =	sld [smem:$0x3F9E];
	_ =	swait.ge [sflag:s4], $0x0  }
0x19: {  	s7 =	sld [smem:$0x3F9F]  }
0x1a: {  	s8 =	sadd.s32 $0xFFFFE003, lr  }
0x1b: {  	s9 =	sadd.s32 $0xFFFFFEF7, lr;
	s5 =	simm.s32 $0xFFFFFFFF;
	p2 =	slt.u32 s8, $0xFFFFF086  }
0x1c: {  	p1 =	slt.u32 s9, $0xF7A;
	s5 =	simm.s32 @!p2 $0x0  }
0x1d: {  	s5 =	simm.s32 @p1 $0x1;
	p0 =	seq.s32 s7, s2  }
0x1e: {  	s7 =	smul.u32 @!p0 $0xF7A, s2;
	p2 =	seq.s32 @!p0 s5, $0x0  }
0x1f: {  	s9 =	smul.u32 $0xF7A, s1;
	s8 =	simm.s32 @!p0 $0x1BF5;
	p2 =	por !p2, p0  }
0x20: {  	[sflag:s8] =	ssyncset.s32 @!p0 $0xFFFFF086;
	s6 =	sadd.s32 @!p0 s3, s7;
	s7 =	simm.s32 @!p0 $0x108  }
0x21: {  	s3 =	sadd.s32 s3, s9;
	s6 =	sadd.s32 @!p0 $0x88, s6;
	s7 =	simm.s32 @p2 $0x1082  }
0x22: {  	[simem:s7], [sflag:s8] =	dma.local @!p0 [hbm:s6], $0xF7A  }
0x23: {  	s9 =	sor.u32 $0xD0000000, s2;
	s6 =	simm.s32 $0x108;
	_ =	swait.ge @!p0 [sflag:s8], $0x0  }
0x24: {  	s3 =	sadd.s32 $0x88, s3;
	s6 =	simm.s32 @!p1 $0x1082;
	[sflag:s4] =	ssyncset.s32 $0xFFFFF086  }
0x25: {  	[simem:s6], [sflag:s4] =	dma.local [hbm:s3], $0xF7A  }
0x26: {  	[smem:$0x3F9F] =	sst s1;
	(tag) =	ssettag s2;
	_ =	strace s9  }
0x27: {  	s1 =	sld [smem:$0x3FAF]  }
0x28: {  	s2 =	sld [smem:$0x3FB0]  }
0x29: {  	s4 =	sld [smem:$0x3FB2]  }
0x2a: {  	p0 =	seq.s32 s5, $0x0;
	s5 =	sld [smem:$0x3FB3]  }
0x2b: {  	s6 =	sld [smem:$0x3FB4]  }
0x2c: {  	s7 =	sld [smem:$0x3FB5]  }
0x2d: {  	s3 =	simm.s32 $0x108;
	s8 =	sld [smem:$0x3FB6]  }
0x2e: {  	s3 =	simm.s32 @!p0 $0x1082;
	s9 =	sld [smem:$0x3FB7]  }
0x2f: {  	lr =	sadd.s32 s0, s3;
	s0 =	sld [smem:$0x3FAE]  }
0x30: {  	s3 =	sld [smem:$0x3FB1]  }
0x31: {  	[smem:$0x3FBA] =	sst s10  }
0x32: {  	s10 =	sld [smem:$0x3FB8];
	_ =	sdelay $0x3  }
0x33: {  	p0 =	seq.s32 s10, $0x1;
	s10 =	sld [smem:$0x3FBA];
	_ =	sdelay $0x3  }
0x34: {  	[smem:$0x3FBA] =	sst s10  }
0x35: {  	s10 =	sld [smem:$0x3FB9];
	_ =	sdelay $0x3  }
0x36: {  	p1 =	seq.s32 s10, $0x1;
	s10 =	sld [smem:$0x3FBA];
	_ =	sdelay $0x3  }
0x37: {  	[smem:$0x3FBA] =	sst s10  }
0x38: {  	s10 =	sld [smem:$0x3FBB]  }
0x39: {  	_ = 	snop;
	(pc) =	sbr.ind lr, $3  }
0x3a: {  	_ = 	snop  }
0x3b: {  	_ = 	snop  }
0x3c: {  	p2 =	seq.s32 s10, $0x1;
	s10 =	sld [smem:$0x3FBA]  }
0x3d: {  	_ =	shalt  }
0x3e: {  	_ =	shalt  }
0x3f: {  	_ =	shalt  }
0x40: {  	_ =	shalt  }
0x41: {  	_ =	shalt  }
0x42: {  	_ =	shalt  }
0x43: {  	_ =	shalt  }
0x44: {  	_ =	shalt  }
0x45: {  	_ =	shalt  }
0x46: {  	_ =	shalt  }
0x47: {  	_ =	shalt  }
0x48: {  	_ =	shalt  }
0x49: {  	_ =	shalt  }
0x4a: {  	_ =	shalt  }
0x4b: {  	_ =	shalt  }
0x4c: {  	_ =	shalt  }
0x4d: {  	_ =	shalt  }
0x4e: {  	_ =	shalt  }
0x4f: {  	_ =	shalt  }
0x50: {  	_ =	shalt  }
0x51: {  	_ =	shalt  }
0x52: {  	_ =	shalt  }
0x53: {  	_ =	shalt  }
0x54: {  	_ =	shalt  }
0x55: {  	_ =	shalt  }
0x56: {  	_ =	shalt  }
0x57: {  	_ =	shalt  }
0x58: {  	_ =	shalt  }
0x59: {  	_ =	shalt  }
0x5a: {  	_ =	shalt  }
0x5b: {  	_ =	shalt  }
0x5c: {  	_ =	shalt  }
0x5d: {  	_ =	shalt  }
0x5e: {  	_ =	shalt  }
0x5f: {  	_ =	shalt  }
0x60: {  	_ =	shalt  }
0x61: {  	_ =	shalt  }
0x62: {  	_ =	shalt  }
0x63: {  	_ =	shalt  }
0x64: {  	_ =	shalt  }
0x65: {  	_ =	shalt  }
0x66: {  	_ =	shalt  }
0x67: {  	_ =	shalt  }
0x68: {  	_ =	shalt  }
0x69: {  	_ =	shalt  }
0x6a: {  	_ =	shalt  }
0x6b: {  	_ =	shalt  }
0x6c: {  	_ =	shalt  }
0x6d: {  	_ =	shalt  }
0x6e: {  	_ =	shalt  }
0x6f: {  	_ =	shalt  }
0x70: {  	_ =	shalt  }
0x71: {  	_ =	shalt  }
0x72: {  	_ =	shalt  }
0x73: {  	_ =	shalt  }
0x74: {  	_ =	shalt  }
0x75: {  	_ =	shalt  }
0x76: {  	_ =	shalt  }
0x77: {  	_ =	shalt  }
0x78: {  	_ =	shalt  }
0x79: {  	_ =	shalt  }
0x7a: {  	_ =	shalt  }
0x7b: {  	_ =	shalt  }
0x7c: {  	_ =	shalt  }
0x7d: {  	_ =	shalt  }
0x7e: {  	_ =	shalt  }
0x7f: {  	_ =	shalt  }
0x80: {  	_ =	shalt  }
0x81: {  	_ =	shalt  }
0x82: {  	_ =	shalt  }
0x83: {  	_ =	shalt  }
0x84: {  	_ =	shalt  }
0x85: {  	_ =	shalt  }
0x86: {  	_ =	shalt  }
0x87: {  	_ =	shalt  }
.Lfunc_end0:
.L_simem_size_0:
called_computation.1_lowered:
.L_overlay_start_0:
0x88: {  	s2 =	sld [smem:$0x3FD9]  }
0x89: {  	s3 =	sld [smem:$0x3FFE];
	_ =	sdelay $0x1  }
0x8a: {  	s1 =	srdreg.scid  }
0x8b: {  	s0 =	sand.u32 $0x1, s1  }
0x8c: {  	s17 =	sshll.u32 s0, $0xA;
	s2 =	sadd.s32 s3, s2  }
0x8d: {  	s2 =	sadd.s32 s2, s17  }
0x8e: {  	[smem:$0x3FC6] =	sst s2  }
0x8f: {  	_ = 	snop  }
0x90: {  	s2 =	sld [smem:$0x3FD0];
	(tm) =	ssettm $0x1  }
0x91: {  	s18 =	sld [smem:$0x3FFB];
	_ =	sdelay $0x3  }
0x92: {  	_ =	strace s18  }
0x93: {  	s3 =	sld [smem:$0x3FFC];
	_ =	sdelay $0x3  }
0x94: {  	_ =	strace s3  }
0x95: {  	s3 =	sld [smem:$0x3FFD];
	_ =	sdelay $0x3  }
0x96: {  	_ =	strace s3  }
0x97: {  	_ =	strace $0x8FFFFFFF  }
0x98: {  	s19 =	sld [smem:$0x3FDB];
	_ =	sdelay $0x1  }
0x99: {  	s4 =	simm.s32 $_scs_section_size  }
0x9a: {  	s5 =	simm.s32 $_size__tile_overlayer_lowered;
	s6 =	simm.s32 $_tile_overlayer_lowered  }
0x9b: {  	s22 =	simm.s32 $0x1BFF;
	s21 =	sshll.u32 s6, $0x1;
	s3 =	sadd.s32 s4, s19  }
0x9c: {  	s7 =	simm.s32 $0x0;
	s20 =	sshll.u32 s5, $0x1;
	s5 =	sadd.s32 s21, s3  }
0x9d: {  	[timem:s7], [sflag:s22] =	dma.local [hbm:s5], s20  }
0x9e: {  	_ =	swait.ge [sflag:s22], s20  }
0x9f: {  	s4 =	ssub.s32 $0x0, s20;
	[sflag:s22] =	ssyncset.done $0x0  }
0xa0: {  	[sflag:s22] =	ssyncadd.s32 s4;
	_ =	sdelay $0x1  }
0xa1: {  	s23 =	simm.s32 $0x1B8B  }
0xa2: {  	_ =	swait.ge [sflag:s23], $0x1  }
0xa3: {  	[sflag:s23] =	ssyncset.done $0x0  }
0xa4: {  	s25 =	simm.s32 $0x1B8E;
	s24 =	sld [smem:$0x3FFE];
	[sflag:s23] =	ssyncadd.s32 $0xFFFFFFFF  }
0xa5: {  	s26 =	simm.s32 $execute0_lowered;
	[smem:$0x3FD2] =	sst s25  }
0xa6: {  	s5 =	sshll.u32 s26, $0x1;
	_ =	strace $0x80000049;
	[dreg:$0x1] =	wrdreg $0xFFFFFFFF  }
0xa7: {  	s28 =	simm.s32 $_size_execute0_lowered;
	s3 =	sadd.s32 s3, s5;
	[dreg:$0x0] =	wrdreg $0x0  }
0xa8: {  	s5 =	sshll.u32 s28, $0x1;
	[dreg:$0x2] =	wrdreg s3  }
0xa9: {  	[dreg:$0x3] =	wrdreg s5  }
0xaa: {  	[dreg:$0x4] =	wrdreg $0xC0  }
0xab: {  	_ =	task [dreg:s7], $0x5FFFF  }
0xac: {  	[dreg:$0x1] =	wrdreg $0xFFFFFFFF  }
0xad: {  	[dreg:$0x0] =	wrdreg $0x60  }
0xae: {  	[dreg:$0x2] =	wrdreg s2  }
0xaf: {  	[dreg:$0x3] =	wrdreg s24  }
0xb0: {  	[dreg:$0x4] =	wrdreg $0x9  }
0xb1: {  	_ =	task.clear_ibuf [dreg:s7], $0x5FFFF;
	_ =	strace $0x90000049  }
0xb2: {  	s29 =	simm.s32 $0x9;
	_ =	strace $0x8000004B  }
0xb3: {  	_ =	swait.ge [sflag:s29], $0x1  }
0xb4: {  	[sflag:s29] =	ssyncadd.s32 $0xFFFFFFFF  }
0xb5: {  	_ =	strace $0x9000004B  }
0xb6: {  	_ =	sfence  }
0xb7: {  	s30 =	sld [smem:$0x0];
	_ =	sdelay $0x2  }
0xb8: {  	s31 =	sshll.u32 s1, $0xD;
	s1 =	sshrl.u32 s1, $0x2  }
0xb9: {  	s3 =	sand.u32 $0x4000, s31;
	s1 =	sadd.s32 s1, s30  }
0xba: {  	s0 =	sor.u32 s3, s0;
	s1 =	sshll.u32 s1, $0x11  }
0xbb: {  	s0 =	sor.u32 s1, s0  }
0xbc: {  	s0 =	sadd.s32 $0x8F2B, s0  }
0xbd: {  	[sflag:s0] =	ssyncadd.remote.s32 $0x1  }
0xbe: {  	_ =	sfence.sel $0xFFFF  }
0xbf: {  	[dreg:$0x0] =	wrdreg $0xFFFFFFFF;
	(pc) =	sbr.abs _section_cstart, $3  }
0xc0: {  	[dreg:$0x1] =	wrdreg $0xFFFFFFFF  }
0xc1: {  	_ =	task.clear_ibuf [dreg:s7], $0x2FFFF;
	_ =	strace $0x9FFFFFFF  }
0xc2: {  	(tm) =	ssettm $0x7FFFFFFF  }
0xc3: {  	_ =	shalt  }
tec
execute0_lowered:
.L_overlay_start_1:
0x0: {  	(tag) =	ssettag $0x1  }
0x1: {  	s1 =	srdreg.scid;
	s4 =	rddreg [dreg:$0x0]  }
0x2: {  	s0 =	stileid.u32;
	s5 =	rddreg [dreg:$0x1]  }
0x3: {  	s2 =	simm.s32 $0x0;
	s13 =	simm.s32 $0x4000;
	s14 =	simm.s32 $0x8000  }
0x4: {  	s15 =	simm.s32 $0xC000;
	s16 =	simm.s32 $0x10000;
	s17 =	simm.s32 $0x1  }
0x5: {  	s18 =	simm.s32 $0x2;
	s19 =	simm.s32 $0x3;
	s20 =	simm.s32 $0x4  }
0x6: {  	s21 =	simm.s32 $0x5;
	s22 =	simm.s32 $0x6;
	s23 =	simm.s32 $0x7  }
0x7: {  	s24 =	simm.s32 $0x8;
	s25 =	simm.s32 $0x9;
	s26 =	simm.s32 $0x0  }
0x8: {  	s3 =	sand.u32 $0x1, s1;
	s6 =	sshll.u32 s0, $0xC;
	s1 =	rddreg [dreg:$0x2]  }
0x9: {  	[smem:$0x7FF] =	sst s2;
	s7 =	sshll.u32 s3, $0xB;
	s3 =	ssub.s32 $0x2, s3  }
0xa: {  	_ =	strace $0x8000004A;
	s6 =	sor.u32 s7, s6;
	s9 =	sshrl.u32 s3, $0x1  }
0xb: {  	s7 =	sor.u32 $0x70000, s6;
	s11 =	sadd.s32 s6, s5;
	s12 =	ssub.s32 s3, s9  }
0xc: {  	s31 =	sadd.s32 s6, s4;
	s8 =	sadd.s32 s7, s5;
	s4 =	sadd.s32 s4, s7  }
0xd: {  	s5 =	sadd.s32 $0xF0000, s31;
	s6 =	sadd.s32 $0x170000, s31;
	s7 =	sadd.s32 $0x1F0000, s31  }
0xe: {  	s9 =	sadd.s32 $0x90A00, s11;
	s10 =	sadd.s32 $0xA0A00, s11;
	s12 =	smax.u32 s12, $0x1  }
0xf: {  	s3 =	sadd.s32 $0xA00, s8;
	s8 =	sadd.s32 $0x80A00, s11;
	s11 =	sadd.s32 $0xB0A00, s11  }
.LBB2_1:
0x10: {  	[tilespmem:s2], [sflag:$0x1] =	stream.linear.gather [hbm4b:s3+s2], $0x4000, $0x38;
	[tilespmem:$0x14000] =	vst v63  }
0x11: {  	_ = 	snop  }
0x12: {  	[tilespmem:s13], [sflag:$0x2] =	stream.linear.gather [hbm4b:s4+s2], $0x4000, $0x38;
	[tilespmem:$0x14000] =	vst v63  }
0x13: {  	_ = 	snop  }
0x14: {  	[tilespmem:s14], [sflag:$0x3] =	stream.linear.gather [hbm4b:s5+s2], $0x4000, $0x38;
	[tilespmem:$0x14000] =	vst v63  }
0x15: {  	_ = 	snop  }
0x16: {  	[tilespmem:s15], [sflag:$0x4] =	stream.linear.gather [hbm4b:s6+s2], $0x4000, $0x38;
	[tilespmem:$0x14000] =	vst v63  }
0x17: {  	_ = 	snop  }
0x18: {  	[tilespmem:s16], [sflag:$0x5] =	stream.linear.gather [hbm4b:s7+s2], $0x4000, $0x38;
	[tilespmem:$0x14000] =	vst v63  }
0x19: {  	_ =	swait.ge [sflag:s17], $0x4000  }
0x1a: {  	[sflag:s17] =	ssyncset.done $0x0  }
0x1b: {  	[sflag:s17] =	ssyncadd.s32 $0xFFFFC000  }
0x1c: {  	_ =	swait.ge [sflag:s18], $0x4000  }
0x1d: {  	[sflag:s18] =	ssyncset.done $0x0  }
0x1e: {  	s28 =	simm.s32 $0x0;
	[sflag:s18] =	ssyncadd.s32 $0xFFFFC000  }
0x1f: {  	v0 =	vld [tilespmem:s28+$0x70]  }
0x20: {  	v1 =	vld [tilespmem:s28+$0x0]  }
0x21: {  	v2 =	vld [tilespmem:s28+$0x10]  }
0x22: {  	v3 =	vld [tilespmem:s28+$0x20]  }
0x23: {  	v4 =	vld [tilespmem:s28+$0x30]  }
0x24: {  	v5 =	vld [tilespmem:s28+$0x40]  }
0x25: {  	v6 =	vld [tilespmem:s28+$0x50]  }
0x26: {  	[tilespmem:s28+$0x4070] =	vst.add.f32.msk $0xffff, v0  }
0x27: {  	v0 =	vld [tilespmem:s28+$0x60]  }
0x28: {  	[tilespmem:s28+$0x4000] =	vst.add.f32.msk $0xffff, v1  }
0x29: {  	[tilespmem:s28+$0x4010] =	vst.add.f32.msk $0xffff, v2  }
0x2a: {  	[tilespmem:s28+$0x4020] =	vst.add.f32.msk $0xffff, v3  }
0x2b: {  	[tilespmem:s28+$0x4030] =	vst.add.f32.msk $0xffff, v4  }
0x2c: {  	[tilespmem:s28+$0x4040] =	vst.add.f32.msk $0xffff, v5  }
0x2d: {  	s29 =	simm.s32 $0x0;
	s30 =	simm.s32 $0x200;
	[tilespmem:s28+$0x4050] =	vst.add.f32.msk $0xffff, v6  }
.LBB2_2:
0x2e: {  	s29 =	sadd.s32 $0x8, s29;
	[tilespmem:s28+$0x4060] =	vst.add.f32.msk $0xffff, v0;
	s28 =	sshra.s32 s30, $0x2  }
0x2f: {  	v0 =	vld [tilespmem:s28+$0x70];
	p0 =	slt.u32 s29, $0x3F8  }
0x30: {  	v1 =	vld [tilespmem:s28+$0x0]  }
0x31: {  	v2 =	vld [tilespmem:s28+$0x10]  }
0x32: {  	v3 =	vld [tilespmem:s28+$0x20]  }
0x33: {  	v4 =	vld [tilespmem:s28+$0x30]  }
0x34: {  	[tilespmem:s28+$0x4070] =	vst.add.f32.msk $0xffff, v0  }
0x35: {  	v5 =	vld [tilespmem:s28+$0x40]  }
0x36: {  	v6 =	vld [tilespmem:s28+$0x50]  }
0x37: {  	v0 =	vld [tilespmem:s28+$0x60]  }
0x38: {  	[tilespmem:s28+$0x4000] =	vst.add.f32.msk $0xffff, v1  }
.Ltmp0:
0x39: {  	[tilespmem:s28+$0x4010] =	vst.add.f32.msk $0xffff, v2;
	(pc) =	sbr.rel @p0 .LBB2_2-.Ltmp0, $4  }
0x3a: {  	[tilespmem:s28+$0x4020] =	vst.add.f32.msk $0xffff, v3  }
0x3b: {  	[tilespmem:s28+$0x4030] =	vst.add.f32.msk $0xffff, v4  }
0x3c: {  	[tilespmem:s28+$0x4040] =	vst.add.f32.msk $0xffff, v5  }
0x3d: {  	s30 =	sadd.s32 $0x200, s30;
	[tilespmem:s28+$0x4050] =	vst.add.f32.msk $0xffff, v6  }
0x3e: {  	[tilespmem:s28+$0x4060] =	vst.add.f32.msk $0xffff, v0;
	s28 =	simm.s32 $0x0  }
0x3f: {  	[hbm4b:s8+s28] =	stream.linear.scatter [tilespmem:s13], [sflag:$0x6], $0x4000, $0x38;
	[tilespmem:$0x14000] =	vst v63  }
0x40: {  	_ =	swait.ge [sflag:s19], $0x4000  }
0x41: {  	[sflag:s19] =	ssyncset.done $0x0  }
0x42: {  	s28 =	simm.s32 $0x0;
	[sflag:s19] =	ssyncadd.s32 $0xFFFFC000  }
0x43: {  	v0 =	vld [tilespmem:s28+$0x70]  }
0x44: {  	v1 =	vld [tilespmem:s28+$0x0]  }
0x45: {  	v2 =	vld [tilespmem:s28+$0x10]  }
0x46: {  	v3 =	vld [tilespmem:s28+$0x20]  }
0x47: {  	v4 =	vld [tilespmem:s28+$0x30]  }
0x48: {  	v5 =	vld [tilespmem:s28+$0x40]  }
0x49: {  	v6 =	vld [tilespmem:s28+$0x50]  }
0x4a: {  	[tilespmem:s28+$0x8070] =	vst.add.f32.msk $0xffff, v0  }
0x4b: {  	v0 =	vld [tilespmem:s28+$0x60]  }
0x4c: {  	[tilespmem:s28+$0x8000] =	vst.add.f32.msk $0xffff, v1  }
0x4d: {  	[tilespmem:s28+$0x8010] =	vst.add.f32.msk $0xffff, v2  }
0x4e: {  	[tilespmem:s28+$0x8020] =	vst.add.f32.msk $0xffff, v3  }
0x4f: {  	[tilespmem:s28+$0x8030] =	vst.add.f32.msk $0xffff, v4  }
0x50: {  	[tilespmem:s28+$0x8040] =	vst.add.f32.msk $0xffff, v5  }
0x51: {  	s29 =	simm.s32 $0x0;
	s30 =	simm.s32 $0x200;
	[tilespmem:s28+$0x8050] =	vst.add.f32.msk $0xffff, v6  }
.LBB2_4:
0x52: {  	s29 =	sadd.s32 $0x8, s29;
	[tilespmem:s28+$0x8060] =	vst.add.f32.msk $0xffff, v0;
	s28 =	sshra.s32 s30, $0x2  }
0x53: {  	v0 =	vld [tilespmem:s28+$0x70];
	p0 =	slt.u32 s29, $0x3F8  }
0x54: {  	v1 =	vld [tilespmem:s28+$0x0]  }
0x55: {  	v2 =	vld [tilespmem:s28+$0x10]  }
0x56: {  	v3 =	vld [tilespmem:s28+$0x20]  }
0x57: {  	v4 =	vld [tilespmem:s28+$0x30]  }
0x58: {  	[tilespmem:s28+$0x8070] =	vst.add.f32.msk $0xffff, v0  }
0x59: {  	v5 =	vld [tilespmem:s28+$0x40]  }
0x5a: {  	v6 =	vld [tilespmem:s28+$0x50]  }
0x5b: {  	v0 =	vld [tilespmem:s28+$0x60]  }
0x5c: {  	[tilespmem:s28+$0x8000] =	vst.add.f32.msk $0xffff, v1  }
.Ltmp1:
0x5d: {  	[tilespmem:s28+$0x8010] =	vst.add.f32.msk $0xffff, v2;
	(pc) =	sbr.rel @p0 .LBB2_4-.Ltmp1, $4  }
0x5e: {  	[tilespmem:s28+$0x8020] =	vst.add.f32.msk $0xffff, v3  }
0x5f: {  	[tilespmem:s28+$0x8030] =	vst.add.f32.msk $0xffff, v4  }
0x60: {  	[tilespmem:s28+$0x8040] =	vst.add.f32.msk $0xffff, v5  }
0x61: {  	s30 =	sadd.s32 $0x200, s30;
	[tilespmem:s28+$0x8050] =	vst.add.f32.msk $0xffff, v6  }
0x62: {  	[tilespmem:s28+$0x8060] =	vst.add.f32.msk $0xffff, v0;
	s28 =	simm.s32 $0x0  }
0x63: {  	[hbm4b:s9+s28] =	stream.linear.scatter [tilespmem:s14], [sflag:$0x7], $0x4000, $0x38;
	[tilespmem:$0x14000] =	vst v63  }
0x64: {  	_ =	swait.ge [sflag:s20], $0x4000  }
0x65: {  	[sflag:s20] =	ssyncset.done $0x0  }
0x66: {  	s28 =	simm.s32 $0x0;
	[sflag:s20] =	ssyncadd.s32 $0xFFFFC000  }
0x67: {  	v0 =	vld [tilespmem:s28+$0x70]  }
0x68: {  	v1 =	vld [tilespmem:s28+$0x0]  }
0x69: {  	v2 =	vld [tilespmem:s28+$0x10]  }
0x6a: {  	v3 =	vld [tilespmem:s28+$0x20]  }
0x6b: {  	v4 =	vld [tilespmem:s28+$0x30]  }
0x6c: {  	v5 =	vld [tilespmem:s28+$0x40]  }
0x6d: {  	v6 =	vld [tilespmem:s28+$0x50]  }
0x6e: {  	[tilespmem:s28+$0xC070] =	vst.add.f32.msk $0xffff, v0  }
0x6f: {  	v0 =	vld [tilespmem:s28+$0x60]  }
0x70: {  	[tilespmem:s28+$0xC000] =	vst.add.f32.msk $0xffff, v1  }
0x71: {  	[tilespmem:s28+$0xC010] =	vst.add.f32.msk $0xffff, v2  }
0x72: {  	[tilespmem:s28+$0xC020] =	vst.add.f32.msk $0xffff, v3  }
0x73: {  	[tilespmem:s28+$0xC030] =	vst.add.f32.msk $0xffff, v4  }
0x74: {  	[tilespmem:s28+$0xC040] =	vst.add.f32.msk $0xffff, v5  }
0x75: {  	s29 =	simm.s32 $0x0;
	s30 =	simm.s32 $0x200;
	[tilespmem:s28+$0xC050] =	vst.add.f32.msk $0xffff, v6  }
.LBB2_6:
0x76: {  	s29 =	sadd.s32 $0x8, s29;
	[tilespmem:s28+$0xC060] =	vst.add.f32.msk $0xffff, v0;
	s28 =	sshra.s32 s30, $0x2  }
0x77: {  	v0 =	vld [tilespmem:s28+$0x70];
	p0 =	slt.u32 s29, $0x3F8  }
0x78: {  	v1 =	vld [tilespmem:s28+$0x0]  }
0x79: {  	v2 =	vld [tilespmem:s28+$0x10]  }
0x7a: {  	v3 =	vld [tilespmem:s28+$0x20]  }
0x7b: {  	v4 =	vld [tilespmem:s28+$0x30]  }
0x7c: {  	[tilespmem:s28+$0xC070] =	vst.add.f32.msk $0xffff, v0  }
0x7d: {  	v5 =	vld [tilespmem:s28+$0x40]  }
0x7e: {  	v6 =	vld [tilespmem:s28+$0x50]  }
0x7f: {  	v0 =	vld [tilespmem:s28+$0x60]  }
0x80: {  	[tilespmem:s28+$0xC000] =	vst.add.f32.msk $0xffff, v1  }
.Ltmp2:
0x81: {  	[tilespmem:s28+$0xC010] =	vst.add.f32.msk $0xffff, v2;
	(pc) =	sbr.rel @p0 .LBB2_6-.Ltmp2, $4  }
0x82: {  	[tilespmem:s28+$0xC020] =	vst.add.f32.msk $0xffff, v3  }
0x83: {  	[tilespmem:s28+$0xC030] =	vst.add.f32.msk $0xffff, v4  }
0x84: {  	[tilespmem:s28+$0xC040] =	vst.add.f32.msk $0xffff, v5  }
0x85: {  	s30 =	sadd.s32 $0x200, s30;
	[tilespmem:s28+$0xC050] =	vst.add.f32.msk $0xffff, v6  }
0x86: {  	[tilespmem:s28+$0xC060] =	vst.add.f32.msk $0xffff, v0;
	s28 =	simm.s32 $0x0  }
0x87: {  	[hbm4b:s10+s28] =	stream.linear.scatter [tilespmem:s15], [sflag:$0x8], $0x4000, $0x38;
	[tilespmem:$0x14000] =	vst v63  }
0x88: {  	_ =	swait.ge [sflag:s21], $0x4000  }
0x89: {  	[sflag:s21] =	ssyncset.done $0x0  }
0x8a: {  	s28 =	simm.s32 $0x0;
	[sflag:s21] =	ssyncadd.s32 $0xFFFFC000  }
0x8b: {  	v0 =	vld [tilespmem:s28+$0x70]  }
0x8c: {  	v1 =	vld [tilespmem:s28+$0x0]  }
0x8d: {  	v2 =	vld [tilespmem:s28+$0x10]  }
0x8e: {  	v3 =	vld [tilespmem:s28+$0x20]  }
0x8f: {  	v4 =	vld [tilespmem:s28+$0x30]  }
0x90: {  	v5 =	vld [tilespmem:s28+$0x40]  }
0x91: {  	v6 =	vld [tilespmem:s28+$0x50]  }
0x92: {  	[tilespmem:s28+$0x10070] =	vst.add.f32.msk $0xffff, v0  }
0x93: {  	v0 =	vld [tilespmem:s28+$0x60]  }
0x94: {  	[tilespmem:s28+$0x10000] =	vst.add.f32.msk $0xffff, v1  }
0x95: {  	[tilespmem:s28+$0x10010] =	vst.add.f32.msk $0xffff, v2  }
0x96: {  	[tilespmem:s28+$0x10020] =	vst.add.f32.msk $0xffff, v3  }
0x97: {  	[tilespmem:s28+$0x10030] =	vst.add.f32.msk $0xffff, v4  }
0x98: {  	[tilespmem:s28+$0x10040] =	vst.add.f32.msk $0xffff, v5  }
0x99: {  	s29 =	simm.s32 $0x0;
	s30 =	simm.s32 $0x200;
	[tilespmem:s28+$0x10050] =	vst.add.f32.msk $0xffff, v6  }
.LBB2_8:
0x9a: {  	s29 =	sadd.s32 $0x8, s29;
	[tilespmem:s28+$0x10060] =	vst.add.f32.msk $0xffff, v0;
	s28 =	sshra.s32 s30, $0x2  }
0x9b: {  	v0 =	vld [tilespmem:s28+$0x70];
	p0 =	slt.u32 s29, $0x3F8  }
0x9c: {  	v1 =	vld [tilespmem:s28+$0x0]  }
0x9d: {  	v2 =	vld [tilespmem:s28+$0x10]  }
0x9e: {  	v3 =	vld [tilespmem:s28+$0x20]  }
0x9f: {  	v4 =	vld [tilespmem:s28+$0x30]  }
0xa0: {  	[tilespmem:s28+$0x10070] =	vst.add.f32.msk $0xffff, v0  }
0xa1: {  	v5 =	vld [tilespmem:s28+$0x40]  }
0xa2: {  	v6 =	vld [tilespmem:s28+$0x50]  }
0xa3: {  	v0 =	vld [tilespmem:s28+$0x60]  }
0xa4: {  	[tilespmem:s28+$0x10000] =	vst.add.f32.msk $0xffff, v1  }
.Ltmp3:
0xa5: {  	[tilespmem:s28+$0x10010] =	vst.add.f32.msk $0xffff, v2;
	(pc) =	sbr.rel @p0 .LBB2_8-.Ltmp3, $4  }
0xa6: {  	[tilespmem:s28+$0x10020] =	vst.add.f32.msk $0xffff, v3  }
0xa7: {  	[tilespmem:s28+$0x10030] =	vst.add.f32.msk $0xffff, v4  }
0xa8: {  	[tilespmem:s28+$0x10040] =	vst.add.f32.msk $0xffff, v5  }
0xa9: {  	s30 =	sadd.s32 $0x200, s30;
	[tilespmem:s28+$0x10050] =	vst.add.f32.msk $0xffff, v6  }
0xaa: {  	[tilespmem:s28+$0x10060] =	vst.add.f32.msk $0xffff, v0  }
0xab: {  	[hbm4b:s11+s2] =	stream.linear.scatter [tilespmem:s16], [sflag:$0x9], $0x4000, $0x38;
	[tilespmem:$0x14000] =	vst v63  }
0xac: {  	_ =	swait.ge [sflag:s22], $0x4000  }
0xad: {  	[sflag:s22] =	ssyncset.done $0x0  }
0xae: {  	[sflag:s22] =	ssyncadd.s32 $0xFFFFC000  }
0xaf: {  	_ =	swait.ge [sflag:s23], $0x4000  }
0xb0: {  	[sflag:s23] =	ssyncset.done $0x0  }
0xb1: {  	s26 =	sadd.s32 $0x1, s26;
	[sflag:s23] =	ssyncadd.s32 $0xFFFFC000  }
0xb2: {  	p0 =	sne.s32 s26, s12;
	_ =	swait.ge [sflag:s24], $0x4000  }
.Ltmp4:
0xb3: {  	[sflag:s24] =	ssyncset.done $0x0;
	(pc) =	sbr.rel @p0 .LBB2_1-.Ltmp4, $4  }
0xb4: {  	[sflag:s24] =	ssyncadd.s32 $0xFFFFC000  }
0xb5: {  	_ =	swait.ge [sflag:s25], $0x4000  }
0xb6: {  	[sflag:s25] =	ssyncset.done $0x0  }
0xb7: {  	[sflag:s25] =	ssyncadd.s32 $0xFFFFC000  }
0xb8: {  	_ =	sfence.sel $0x180000  }
0xb9: {  	[bflag:$0x0] =	sbarrier.arrive $0xFFFF  }
0xba: {  	p0 =	sne.s32 s0, $0x0;
	_ =	strace $0x9000004A  }
0xbb: {  	s0 =	sadd.s32 @!p0 $0x100000, s1;
	[bflag:$0x2] =	sbarrier.arrive $0xFFFF  }
0xbc: {  	[sflag:s0] =	ssyncadd.tile.s32 @!p0 $0x1;
	_ =	shalt  }
.Lfunc_end2:
_tile_overlayer_lowered:
.L_overlay_start_2:
0xbd: {  	(tag) =	ssettag $0x2  }
0xbe: {  	s0 =	rddreg [dreg:$0x0];
	s2 =	stileid.u32  }
0xbf: {  	s1 =	rddreg [dreg:$0x1];
	p0 =	sne.s32 s2, $0x0  }
0xc0: {  	s3 =	rddreg [dreg:$0x2];
	[bflag:$0x3] =	sbarrier.arrive $0xFFFF;
	s2 =	simm.s32 @!p0 $0x1C0A  }
0xc1: {  	[timem:s3], [sflag:s2] =	dma.local @!p0 [hbm:s0], s1  }
0xc2: {  	s0 =	simm.s32 @!p0 $0xA  }
0xc3: {  	_ =	swait.ge @!p0 [sflag:s0], s1  }
0xc4: {  	s1 =	ssub.s32 @!p0 $0x0, s1;
	[sflag:s0] =	ssyncset.done @!p0 $0x0  }
0xc5: {  	[sflag:s0] =	ssyncadd.s32 @!p0 s1  }
0xc6: {  	[bflag:$0x3] =	sbarrier.arrive $0xFFFF  }
0xc7: {  	_ =	shalt  }

// kernel: sparse-core-data-format-call.cloned.1.call-start
scs
called_computation_lowered:
.L_overlay_start_0:
0x0: {  	s2 =	sld [smem:$0x3FD9]  }
0x1: {  	s3 =	sld [smem:$0x3FFE];
	_ =	sdelay $0x1  }
0x2: {  	s1 =	srdreg.scid  }
0x3: {  	s0 =	sand.u32 $0x1, s1  }
0x4: {  	s19 =	sshll.u32 s0, $0xA;
	s2 =	sadd.s32 s3, s2  }
0x5: {  	s2 =	sadd.s32 s2, s19  }
0x6: {  	[smem:$0x3FC6] =	sst s2  }
0x7: {  	_ = 	snop  }
0x8: {  	s2 =	sld [smem:$0x3FC9]  }
0x9: {  	s20 =	sld [smem:$0x3FD0];
	(tm) =	ssettm $0x1  }
0xa: {  	s4 =	sld [smem:$0x3FFB];
	_ =	sdelay $0x3  }
0xb: {  	_ =	strace s4  }
0xc: {  	s4 =	sld [smem:$0x3FFC];
	_ =	sdelay $0x3  }
0xd: {  	_ =	strace s4  }
0xe: {  	s4 =	sld [smem:$0x3FFD];
	_ =	sdelay $0x3  }
0xf: {  	_ =	strace s4  }
0x10: {  	_ =	strace $0x8FFFFFFF  }
0x11: {  	s21 =	sld [smem:$0x3FDB];
	_ =	sdelay $0x1  }
0x12: {  	s5 =	simm.s32 $_scs_section_size  }
0x13: {  	s6 =	simm.s32 $_size__tile_overlayer_lowered;
	s7 =	simm.s32 $_tile_overlayer_lowered  }
0x14: {  	s24 =	simm.s32 $0x1BFF;
	s23 =	sshll.u32 s7, $0x1;
	s4 =	sadd.s32 s5, s21  }
0x15: {  	s8 =	simm.s32 $0x0;
	s22 =	sshll.u32 s6, $0x1;
	s6 =	sadd.s32 s23, s4  }
0x16: {  	[timem:s8], [sflag:s24] =	dma.local [hbm:s6], s22  }
0x17: {  	_ =	swait.ge [sflag:s24], s22  }
0x18: {  	s5 =	ssub.s32 $0x0, s22;
	[sflag:s24] =	ssyncset.done $0x0  }
0x19: {  	[sflag:s24] =	ssyncadd.s32 s5;
	_ =	sdelay $0x1  }
0x1a: {  	s25 =	simm.s32 $0x1B8B  }
0x1b: {  	_ =	swait.ge [sflag:s25], $0x1  }
0x1c: {  	[sflag:s25] =	ssyncset.done $0x0  }
0x1d: {  	s26 =	simm.s32 $0x1B8E;
	[sflag:s25] =	ssyncadd.s32 $0xFFFFFFFF  }
0x1e: {  	s27 =	simm.s32 $execute0_lowered;
	[smem:$0x3FD2] =	sst s26  }
0x1f: {  	s5 =	sshll.u32 s27, $0x1;
	_ =	strace $0x80000046;
	[dreg:$0x1] =	wrdreg $0xFFFFFFFF  }
0x20: {  	s28 =	simm.s32 $_size_execute0_lowered;
	s4 =	sadd.s32 s4, s5;
	[dreg:$0x0] =	wrdreg $0x0  }
0x21: {  	s5 =	sshll.u32 s28, $0x1;
	[dreg:$0x2] =	wrdreg s4  }
0x22: {  	[dreg:$0x3] =	wrdreg s5  }
0x23: {  	[dreg:$0x4] =	wrdreg $0xC0  }
0x24: {  	_ =	task [dreg:s8], $0x5FFFF  }
0x25: {  	[dreg:$0x1] =	wrdreg $0xFFFFFFFF  }
0x26: {  	[dreg:$0x0] =	wrdreg $0x60  }
0x27: {  	[dreg:$0x2] =	wrdreg s2  }
0x28: {  	[dreg:$0x3] =	wrdreg s20  }
0x29: {  	[dreg:$0x4] =	wrdreg $0x9  }
0x2a: {  	_ =	task.clear_ibuf [dreg:s8], $0x5FFFF;
	_ =	strace $0x90000046  }
0x2b: {  	s29 =	simm.s32 $0x9;
	_ =	strace $0x80000048  }
0x2c: {  	_ =	swait.ge [sflag:s29], $0x1  }
0x2d: {  	[sflag:s29] =	ssyncadd.s32 $0xFFFFFFFF  }
0x2e: {  	_ =	strace $0x90000048  }
0x2f: {  	_ =	sfence  }
0x30: {  	s30 =	sld [smem:$0x0];
	_ =	sdelay $0x2  }
0x31: {  	s31 =	sshll.u32 s1, $0xD;
	s1 =	sshrl.u32 s1, $0x2  }
0x32: {  	s3 =	sand.u32 $0x4000, s31;
	s1 =	sadd.s32 s1, s30  }
0x33: {  	s0 =	sor.u32 s3, s0;
	s1 =	sshll.u32 s1, $0x11  }
0x34: {  	s0 =	sor.u32 s1, s0  }
0x35: {  	s0 =	sadd.s32 $0x8F2B, s0  }
0x36: {  	[sflag:s0] =	ssyncadd.remote.s32 $0x1  }
0x37: {  	_ =	sfence.sel $0xFFFF  }
0x38: {  	[dreg:$0x0] =	wrdreg $0xFFFFFFFF;
	(pc) =	sbr.abs _section_cstart, $3  }
0x39: {  	[dreg:$0x1] =	wrdreg $0xFFFFFFFF  }
0x3a: {  	_ =	task.clear_ibuf [dreg:s8], $0x2FFFF;
	_ =	strace $0x9FFFFFFF  }
0x3b: {  	(tm) =	ssettm $0x7FFFFFFF  }
tec
execute0_lowered:
.L_overlay_start_1:
0x0: {  	(tag) =	ssettag $0x1  }
0x1: {  	s0 =	srdreg.scid  }
0x2: {  	s1 =	sshll.u32 s0, $0x4  }
0x3: {  	s2 =	rddreg [dreg:$0x0];
	s0 =	stileid.u32;
	s1 =	sand.u32 $0x10, s1  }
0x4: {  	s4 =	rddreg [dreg:$0x1];
	s1 =	sor.u32 s0, s1  }
0x5: {  	s7 =	simm.s32 $0x1;
	s8 =	simm.s32 $0x2;
	s3 =	sshll.u32 s1, $0x1  }
0x6: {  	s9 =	simm.s32 $0x0;
	s12 =	simm.s32 $0x0;
	s6 =	ssub.s32 $0x800, s3  }
.Ltmp0:
0x7: {  	s11 =	simm.s32 $0x0;
	s5 =	sand.u32 $0x3E, s6;
	(pc) =	sbr.rel .LBB1_1-.Ltmp0, $4  }
0x8: {  	s1 =	rddreg [dreg:$0x2];
	_ =	strace $0x80000047;
	p0 =	sne.s32 s5, $0x0  }
0x9: {  	s6 =	sshrl.u32 s6, $0x6;
	s5 =	simm.s32 $0x1;
	s7 =	simm.s32 @!p0 $0x0  }
0xa: {  	s10 =	smov.u32 s3;
	[sflag:s5] =	ssyncpa.u1 $0x0;
	s6 =	sadd.s32 s7, s6  }
0xb: {  	[sflag:s8] =	ssyncpa.u1 $0x0;
	s8 =	simm.s32 $0x0;
	s7 =	sadd.s32 $0x1, s6  }
.LBB1_9:
0xc: {  	s14 =	sadd.s32 $0x40, s10  }
0xd: {  	p1 =	sgt.s32 s14, $0x7FF  }
0xe: {  	s14 =	smov.u32 @p1 s3;
	p1 =	sne.s32 s11, s7  }
.Ltmp1:
0xf: {  	p0 =	slt.u32 s11, $0x2;
	(pc) =	sbr.rel @!p1 .LBB1_10-.Ltmp1, $4  }
0x10: {  	s13 =	simm.s32 @!p0 $0x2  }
0x11: {  	s15 =	sadd.s32 $0x1, s11;
	_ =	swait.ge @!p0 [sflag:s13], $0x4000  }
0x12: {  	s12 =	smov.u32 s10;
	s9 =	sadd.s32 $0x4000, s9;
	[sflag:s13] =	ssyncset.done @!p0 $0x0  }
0x13: {  	s11 =	smov.u32 s15;
	s10 =	smov.u32 s14;
	[sflag:s13] =	ssyncadd.s32 @!p0 $0xFFFFC000  }
.LBB1_1:
0x14: {  	p0 =	sge.u32 s11, s6  }
0x15: {  	s13 =	sxor.u32 @!p0 $0xFFFFFFFF, s11  }
0x16: {  	s31 =	sadd.s32 $0xFFFFFFFF, s11;
	s14 =	sshll.u32 @!p0 s10, $0xA;
	s13 =	sshll.u32 @!p0 s13, $0xE  }
0x17: {  	s15 =	simm.s32 @!p0 $0x0;
	s14 =	sadd.s32 @!p0 s2, s14;
	s13 =	sand.u32 @!p0 $0x4000, s13  }
0x18: {  	[tilespmem:s13], [sflag:$0x1] =	stream.linear.gather @!p0 [hbm4b:s14+s15], $0x4000, $0x38;
	[tilespmem:$0x10000] =	vst v63  }
0x19: {  	p0 =	sge.u32 s31, s6  }
.Ltmp2:
0x1a: {  	_ = 	snop;
	(pc) =	sbr.rel @p0 .LBB1_9-.Ltmp2, $1  }
0x1b: {  	_ =	sdelay $0x3  }
0x1c: {  	s13 =	sshll.u32 s9, $0x2  }
0x1d: {  	_ =	swait.ge [sflag:s5], $0x4000;
	s14 =	sshll.u32 s11, $0xE;
	s16 =	simm.s32 $0x0  }
0x1e: {  	p1 =	por $0x1, $0x1;
	s13 =	sand.u32 $0x10000, s13;
	[sflag:s5] =	ssyncset.done $0x0  }
0x1f: {  	s14 =	sand.u32 $0x4000, s14;
	s15 =	sshrl.u32 s13, $0x2;
	[sflag:s5] =	ssyncadd.s32 $0xFFFFC000  }
0x20: {  	s13 =	sor.u32 $0x8000, s14;
	s14 =	sadd.s32 $0x8040, s15;
	s15 =	sadd.s32 $0x40, s15  }
.LBB1_3:
0x21: {  	s16 =	sshll.u32 s16, $0x2  }
0x22: {  	p0 =	por p1, p1;
	s17 =	sshra.s32 s16, $0x2  }
0x23: {  	s18 =	simm.s32 $0x0;
	s16 =	sadd.s32 s17, s14;
	s17 =	sadd.s32 s17, s15  }
.LBB1_4:
0x24: {  	v0 =	vmov s17;
	_ =	sdelay $0x3  }
0x25: {  	s20 =	simm.s32 $0x0  }
0x26: {  	v6 =	vld.idx.msk [tilespmem:v0+s20+$0x30 ss:$0x1], $0xffff  }
0x27: {  	v7 =	vld.idx.msk [tilespmem:v0+s20+$0xFFFFFFC0 ss:$0x1], $0xffff  }
0x28: {  	v5 =	vld.idx.msk [tilespmem:v0+s20+$0xFFFFFFD0 ss:$0x1], $0xffff  }
0x29: {  	v4 =	vld.idx.msk [tilespmem:v0+s20+$0xFFFFFFE0 ss:$0x1], $0xffff  }
0x2a: {  	v3 =	vld.idx.msk [tilespmem:v0+s20+$0xFFFFFFF0 ss:$0x1], $0xffff  }
0x2b: {  	v1 =	vld.idx.msk [tilespmem:v0+s20+$0x0 ss:$0x1], $0xffff  }
0x2c: {  	v2 =	vld.idx.msk [tilespmem:v0+s20+$0x10 ss:$0x1], $0xffff;
	[tilespmem:s16+$0x30] =	vst v6  }
0x2d: {  	s19 =	simm.s32 $0x80;
	s21 =	simm.s32 $0x400;
	[tilespmem:s16+$0xFFFFFFC0] =	vst v7;
	v6 =	vld.idx.msk [tilespmem:v0+s20+$0x20 ss:$0x1], $0xffff;
	s20 =	smov.u32 s16  }
.LBB1_5:
0x2e: {  	p1 =	sne.s32 s21, $0xE00;
	v7 =	vld.idx.msk [tilespmem:v0+s19+$0x30 ss:$0x1], $0xffff;
	[tilespmem:s20+$0xFFFFFFD0] =	vst v5  }
0x2f: {  	v8 =	vld.idx.msk [tilespmem:v0+s19+$0xFFFFFFC0 ss:$0x1], $0xffff;
	[tilespmem:s20+$0xFFFFFFE0] =	vst v4  }
0x30: {  	v5 =	vld.idx.msk [tilespmem:v0+s19+$0xFFFFFFD0 ss:$0x1], $0xffff;
	[tilespmem:s20+$0xFFFFFFF0] =	vst v3  }
.Ltmp3:
0x31: {  	v4 =	vld.idx.msk [tilespmem:v0+s19+$0xFFFFFFE0 ss:$0x1], $0xffff;
	[tilespmem:s20+$0x0] =	vst v1;
	(pc) =	sbr.rel @p1 .LBB1_5-.Ltmp3, $4  }
0x32: {  	v3 =	vld.idx.msk [tilespmem:v0+s19+$0xFFFFFFF0 ss:$0x1], $0xffff;
	[tilespmem:s20+$0x10] =	vst v2  }
0x33: {  	v1 =	vld.idx.msk [tilespmem:v0+s19+$0x0 ss:$0x1], $0xffff;
	[tilespmem:s20+$0x20] =	vst v6;
	s20 =	sadd.s32 $0x400, s20  }
0x34: {  	v2 =	vld.idx.msk [tilespmem:v0+s19+$0x10 ss:$0x1], $0xffff;
	[tilespmem:s20+$0x30] =	vst v7  }
0x35: {  	[tilespmem:s20+$0xFFFFFFC0] =	vst v8;
	v6 =	vld.idx.msk [tilespmem:v0+s19+$0x20 ss:$0x1], $0xffff;
	s19 =	sshra.s32 s21, $0x2;
	s21 =	sadd.s32 $0x200, s21  }
0x36: {  	_ =	sdelay $0x2  }
0x37: {  	[tilespmem:s20+$0xFFFFFFD0] =	vst v5  }
0x38: {  	v56 =	vld.idx.msk [tilespmem:v0+s19+$0x30 ss:$0x1], $0xffff;
	[tilespmem:s20+$0xFFFFFFE0] =	vst v4  }
0x39: {  	v57 =	vld.idx.msk [tilespmem:v0+s19+$0xFFFFFFC0 ss:$0x1], $0xffff;
	[tilespmem:s20+$0xFFFFFFF0] =	vst v3  }
0x3a: {  	v58 =	vld.idx.msk [tilespmem:v0+s19+$0xFFFFFFD0 ss:$0x1], $0xffff;
	[tilespmem:s20+$0x0] =	vst v1  }
0x3b: {  	v59 =	vld.idx.msk [tilespmem:v0+s19+$0xFFFFFFE0 ss:$0x1], $0xffff;
	[tilespmem:s20+$0x10] =	vst v2  }
0x3c: {  	v60 =	vld.idx.msk [tilespmem:v0+s19+$0xFFFFFFF0 ss:$0x1], $0xffff;
	s31 =	sadd.s32 $0x400, s20;
	[tilespmem:s20+$0x20] =	vst v6  }
0x3d: {  	v61 =	vld.idx.msk [tilespmem:v0+s19+$0x0 ss:$0x1], $0xffff;
	[tilespmem:s31+$0x30] =	vst v56  }
0x3e: {  	v62 =	vld.idx.msk [tilespmem:v0+s19+$0x10 ss:$0x1], $0xffff;
	s18 =	sadd.s32 $0x1, s18;
	[tilespmem:s31+$0xFFFFFFC0] =	vst v57  }
0x3f: {  	v63 =	vld.idx.msk [tilespmem:v0+s19+$0x20 ss:$0x1], $0xffff;
	p1 =	sne.s32 s18, $0x8;
	[tilespmem:s31+$0xFFFFFFD0] =	vst v58  }
.Ltmp4:
0x40: {  	[tilespmem:s31+$0xFFFFFFE0] =	vst v59;
	(pc) =	sbr.rel @p1 .LBB1_4-.Ltmp4, $4  }
0x41: {  	[tilespmem:s31+$0xFFFFFFF0] =	vst v60  }
0x42: {  	[tilespmem:s31+$0x0] =	vst v61  }
0x43: {  	[tilespmem:s31+$0x10] =	vst v62  }
0x44: {  	s16 =	sadd.s32 $0x80, s16;
	s17 =	sadd.s32 $0x400, s17;
	[tilespmem:s31+$0x20] =	vst v63  }
.Ltmp5:
0x45: {  	(pc) =	sbr.rel @p0 .LBB1_3-.Ltmp5, $2  }
0x46: {  	_ =	sdelay $0x2  }
0x47: {  	s16 =	simm.s32 $0x2000;
	p1 =	por $0x0, $0x0  }
.Ltmp6:
0x48: {  	(pc) =	sbr.rel .LBB1_9-.Ltmp6, $4  }
0x49: {  	_ = 	snop  }
0x4a: {  	s12 =	sshll.u32 s12, $0xA  }
0x4b: {  	s12 =	sadd.s32 s4, s12  }
0x4c: {  	[hbm4b:s12+s8] =	stream.linear.scatter [tilespmem:s13], [sflag:$0x2], $0x4000, $0x38;
	[tilespmem:$0x10000] =	vst v63  }
.LBB1_10:
0x4d: {  	_ =	sfence.sel $0x180000  }
0x4e: {  	s2 =	simm.s32 $0x1;
	[bflag:$0x0] =	sbarrier.arrive $0xFFFF  }
0x4f: {  	s31 =	simm.s32 $0x2;
	[sflag:s2] =	ssyncpa.u1 $0x1  }
0x50: {  	[sflag:s31] =	ssyncpa.u1 $0x1  }
0x51: {  	p0 =	sne.s32 s0, $0x0;
	_ =	strace $0x90000047  }
0x52: {  	s0 =	sadd.s32 @!p0 $0x100000, s1;
	[bflag:$0x2] =	sbarrier.arrive $0xFFFF  }
0x53: {  	[sflag:s0] =	ssyncadd.tile.s32 @!p0 $0x1;
	_ =	shalt  }
.Lfunc_end1:
_tile_overlayer_lowered:
.L_overlay_start_2:
0x54: {  	(tag) =	ssettag $0x2  }
0x55: {  	s0 =	rddreg [dreg:$0x0];
	s2 =	stileid.u32  }
0x56: {  	s1 =	rddreg [dreg:$0x1];
	p0 =	sne.s32 s2, $0x0  }
0x57: {  	s3 =	rddreg [dreg:$0x2];
	[bflag:$0x3] =	sbarrier.arrive $0xFFFF;
	s2 =	simm.s32 @!p0 $0x1C01  }
0x58: {  	[timem:s3], [sflag:s2] =	dma.local @!p0 [hbm:s0], s1  }
0x59: {  	s0 =	simm.s32 @!p0 $0x1  }
0x5a: {  	_ =	swait.ge @!p0 [sflag:s0], s1  }
0x5b: {  	s1 =	ssub.s32 @!p0 $0x0, s1;
	[sflag:s0] =	ssyncset.done @!p0 $0x0  }
0x5c: {  	[sflag:s0] =	ssyncadd.s32 @!p0 s1  }
0x5d: {  	[bflag:$0x3] =	sbarrier.arrive $0xFFFF  }
0x5e: {  	_ =	shalt  }

</sc_bundles>
